<compile_context>
chip_gen: v7x
topology: tpu7x:2x2x1
jax: 0.10.2.dev20260603
libtpu: 0.0.44.dev20260713+nightly
codegen_flags: <defaults>
</compile_context>

<pallas_src>
import functools

import jax
import jax.numpy as jnp
from jax import lax
from jax.experimental import pallas as pl
from jax.experimental.pallas import tpu as pltpu
from jax.experimental.pallas import tpu_sc as plsc

VOCAB = 100000
EMBED = 64
BATCH = 4096
SEQ = 200

_N_STREAMS = 4
_STREAM_ROWS = 25600
_ROW_BLK = 5120
_GRID = _STREAM_ROWS // _ROW_BLK
_VOCAB_PAD = _N_STREAMS * _STREAM_ROWS
_SC_ROWS = _VOCAB_PAD // 128


def _scores_body(t0, t1, t2, t3, w_ref, b_ref, o_ref):
    i = pl.program_id(0)
    w = w_ref[...]
    scale = 1.0 / SEQ
    bias = b_ref[0, 0]
    for j, t_ref in enumerate((t0, t1, t2, t3)):
        r = lax.dot_general(
            w, t_ref[...], (((1,), (1,)), ((), ())),
            preferred_element_type=jnp.float32,
        )
        r2 = ((r + bias) * scale).reshape(_ROW_BLK // 128, 128)
        o_ref[pl.ds((_GRID * j + i) * (_ROW_BLK // 128), _ROW_BLK // 128), :] = r2


def _make_sc_kernel(n_workers, rows_per_worker):
    mesh = plsc.VectorSubcoreMesh(core_axis_name="c", subcore_axis_name="s")
    groups = rows_per_worker // 16

    @functools.partial(
        pl.kernel,
        mesh=mesh,
        out_type=jax.ShapeDtypeStruct((BATCH,), jnp.float32),
        scratch_types=[
            pltpu.VMEM((_SC_ROWS, 128), jnp.float32),
            pltpu.VMEM((SEQ, rows_per_worker), jnp.int32),
            pltpu.VMEM((rows_per_worker,), jnp.float32),
        ],
        compiler_params=pltpu.CompilerParams(needs_layout_passes=False),
    )
    def sc_kernel(scores_hbm, idx_hbm, out_hbm, scores_v, idx_v, out_v):
        nc = 2
        wid = lax.axis_index("s") * nc + lax.axis_index("c")
        pltpu.sync_copy(scores_hbm, scores_v)
        pltpu.sync_copy(idx_hbm.at[wid], idx_v)

        def body(s, accs):
            new = []
            for g in range(groups):
                tok = idx_v[s, pl.ds(g * 16, 16)]
                val = plsc.load_gather(
                    scores_v,
                    [lax.shift_right_logical(tok, 7), lax.bitwise_and(tok, 127)],
                )
                new.append(accs[g] + val)
            return tuple(new)

        accs = lax.fori_loop(
            0, SEQ, body,
            tuple(jnp.zeros((16,), jnp.float32) for _ in range(groups)),
        )
        for g in range(groups):
            out_v[pl.ds(g * 16, 16)] = 1.0 / (1.0 + jnp.exp(-accs[g]))
        pltpu.sync_copy(
            out_v, out_hbm.at[pl.ds(wid * rows_per_worker, rows_per_worker)]
        )

    return sc_kernel


def kernel(x, table, W, b):
    scores = pl.pallas_call(
        _scores_body,
        grid=(_GRID,),
        in_specs=[
            pl.BlockSpec((_ROW_BLK, EMBED), lambda i, j=j: (_GRID * j + i, 0))
            for j in range(_N_STREAMS)
        ] + [
            pl.BlockSpec((1, EMBED), lambda i: (0, 0)),
            pl.BlockSpec((1, 1), lambda i: (0, 0)),
        ],
        out_specs=pl.BlockSpec((_SC_ROWS, 128), lambda i: (0, 0)),
        out_shape=jax.ShapeDtypeStruct((_SC_ROWS, 128), jnp.float32),
    )(*([table] * _N_STREAMS),
      W.reshape(1, EMBED).astype(jnp.float32),
      b.reshape(1, 1).astype(jnp.float32))

    n_workers = 32
    rows_per_worker = BATCH // n_workers
    idx = (
        x.astype(jnp.int32)
        .reshape(n_workers, rows_per_worker, SEQ)
        .transpose(0, 2, 1)
    )
    out = _make_sc_kernel(n_workers, rows_per_worker)(scores, idx)
    return out.reshape(BATCH, 1)

# --- scband reference (transcript-rebuilt; emitter-appended) ---
"""Pipeline reference for scband-spam-classifier-25598005084303 (READ-ONLY COPY).

The authoritative reference and input builder live on the scoring server;
editing this copy changes nothing except your own understanding.
"""

import jax, jax.numpy as jnp
import numpy as np

VOCAB = 100000
EMBED = 64
BATCH = 4096
SEQ = 200

def setup_inputs(seed: int = 0) -> dict:
    key = jax.random.key(seed)
    k1, k2, k3, k4 = jax.random.split(key, 4)
    x = jax.random.randint(k1, (BATCH, SEQ), 0, VOCAB, dtype=jnp.int64) if jax.config.jax_enable_x64 else jax.random.randint(k1, (BATCH, SEQ), 0, VOCAB, dtype=jnp.int32)
    table = jax.random.normal(k2, (VOCAB, EMBED), dtype=jnp.float32)
    W = jax.random.normal(k3, (EMBED, 1), dtype=jnp.float32) * (1.0 / np.sqrt(EMBED))
    b = jax.random.normal(k4, (1,), dtype=jnp.float32) * 0.01
    return {"x": x, "table": table, "W": W, "b": b}

def reference(x, table, W, b):
    emb = jnp.take(table, x, axis=0)          # [B, S, E] gather
    pooled = emb.mean(axis=1)                  # [B, E]
    logits = pooled @ W + b                    # [B, 1]
    return jax.nn.sigmoid(logits)

if __name__ == "__main__":
    import jax
    _d = setup_inputs()
    print(jax.jit(kernel)(*tuple(_d.values())))

</pallas_src>

<mosaic_0001>
#map = affine_map<(d0, d1) -> (0, 0)>
#map1 = affine_map<(d0, d1) -> (0, 0, 0)>
#map2 = affine_map<(d0, d1) -> (0)>
module attributes {stable_mosaic.version = 14 : i64} {
  func.func @sc_kernel(%arg0: i32, %arg1: i32, %arg2: memref<800x128xf32, #tpu.memory_space<hbm>>, %arg3: memref<32x200x128xi32, #tpu.memory_space<hbm>>, %arg4: memref<4096xf32, #tpu.memory_space<hbm>>, %arg5: memref<800x128xf32, #tpu.memory_space<vmem>>, %arg6: memref<200x128xi32, #tpu.memory_space<vmem>>, %arg7: memref<128xf32, #tpu.memory_space<vmem>>) attributes {dimension_semantics = [#tpu.dimension_semantics<core_parallel>, #tpu.dimension_semantics<subcore_parallel>], iteration_bounds = array<i64: 2, 16>, scalar_prefetch = 0 : i64, scratch_operands = 3 : i64, tpu.core_type = #tpu.core_type<sc_vector_subcore>, window_params = [{transform_indices = #map}, {transform_indices = #map1}, {transform_indices = #map2}]} {
    %mul3A = arith.constant 2 : i32
    %mul3A_0 = arith.muli %arg1, %mul3A : i32
    %add3A = arith.addi %mul3A_0, %arg0 : i32
    "tpu.region"() ({
      %run_scoped3A = tpu.sem_alloc : memref<!tpu.dma_semaphore, #tpu.memory_space<semaphore_mem>>
      tpu.enqueue_dma source(%arg2 : memref<800x128xf32, #tpu.memory_space<hbm>>) target(%arg5 : memref<800x128xf32, #tpu.memory_space<vmem>>) target_semaphore(%run_scoped3A : memref<!tpu.dma_semaphore, #tpu.memory_space<semaphore_mem>>)
      tpu.wait_dma2 semaphore(%run_scoped3A : memref<!tpu.dma_semaphore, #tpu.memory_space<semaphore_mem>>) src(%arg2 : memref<800x128xf32, #tpu.memory_space<hbm>>) dst(%arg5 : memref<800x128xf32, #tpu.memory_space<vmem>>)
      tpu.yield
    }) : () -> ()
    "tpu.region"() ({
      %run_scoped3A = tpu.sem_alloc : memref<!tpu.dma_semaphore, #tpu.memory_space<semaphore_mem>>
      %dma_start3A = arith.constant 0 : i32
      %dma_start3A_115 = arith.constant 0 : i32
      %dma_start3A_116 = tpu.memref_slice %arg3[%add3A, %dma_start3A, %dma_start3A_115] : memref<32x200x128xi32, #tpu.memory_space<hbm>> -> memref<1x200x128xi32, #tpu.memory_space<hbm>>
      %dma_start3A_117 = tpu.memref_squeeze %dma_start3A_116 : memref<1x200x128xi32, #tpu.memory_space<hbm>> -> memref<200x128xi32, #tpu.memory_space<hbm>>
      %dma_start3A_118 = arith.constant 0 : i32
      %dma_start3A_119 = arith.constant 0 : i32
      %dma_start3A_120 = tpu.memref_slice %arg3[%add3A, %dma_start3A_118, %dma_start3A_119] : memref<32x200x128xi32, #tpu.memory_space<hbm>> -> memref<1x200x128xi32, #tpu.memory_space<hbm>>
      %dma_start3A_121 = tpu.memref_squeeze %dma_start3A_120 : memref<1x200x128xi32, #tpu.memory_space<hbm>> -> memref<200x128xi32, #tpu.memory_space<hbm>>
      tpu.enqueue_dma source(%dma_start3A_121 : memref<200x128xi32, #tpu.memory_space<hbm>>) target(%arg6 : memref<200x128xi32, #tpu.memory_space<vmem>>) target_semaphore(%run_scoped3A : memref<!tpu.dma_semaphore, #tpu.memory_space<semaphore_mem>>)
      %dma_wait3A = arith.constant 0 : i32
      %dma_wait3A_122 = arith.constant 0 : i32
      %dma_wait3A_123 = tpu.memref_slice %arg3[%add3A, %dma_wait3A, %dma_wait3A_122] : memref<32x200x128xi32, #tpu.memory_space<hbm>> -> memref<1x200x128xi32, #tpu.memory_space<hbm>>
      %dma_wait3A_124 = tpu.memref_squeeze %dma_wait3A_123 : memref<1x200x128xi32, #tpu.memory_space<hbm>> -> memref<200x128xi32, #tpu.memory_space<hbm>>
      %dma_wait3A_125 = arith.constant 0 : i32
      %dma_wait3A_126 = arith.constant 0 : i32
      %dma_wait3A_127 = tpu.memref_slice %arg3[%add3A, %dma_wait3A_125, %dma_wait3A_126] : memref<32x200x128xi32, #tpu.memory_space<hbm>> -> memref<1x200x128xi32, #tpu.memory_space<hbm>>
      %dma_wait3A_128 = tpu.memref_squeeze %dma_wait3A_127 : memref<1x200x128xi32, #tpu.memory_space<hbm>> -> memref<200x128xi32, #tpu.memory_space<hbm>>
      tpu.wait_dma2 semaphore(%run_scoped3A : memref<!tpu.dma_semaphore, #tpu.memory_space<semaphore_mem>>) src(%dma_wait3A_128 : memref<200x128xi32, #tpu.memory_space<hbm>>) dst(%arg6 : memref<200x128xi32, #tpu.memory_space<vmem>>)
      tpu.yield
    }) : () -> ()
    %broadcast_in_dim3A = arith.constant 0.000000e+00 : f32
    %broadcast_in_dim3A_1 = vector.broadcast %broadcast_in_dim3A : f32 to vector<16xf32>
    %broadcast_in_dim3A_2 = arith.constant 0.000000e+00 : f32
    %broadcast_in_dim3A_3 = vector.broadcast %broadcast_in_dim3A_2 : f32 to vector<16xf32>
    %broadcast_in_dim3A_4 = arith.constant 0.000000e+00 : f32
    %broadcast_in_dim3A_5 = vector.broadcast %broadcast_in_dim3A_4 : f32 to vector<16xf32>
    %broadcast_in_dim3A_6 = arith.constant 0.000000e+00 : f32
    %broadcast_in_dim3A_7 = vector.broadcast %broadcast_in_dim3A_6 : f32 to vector<16xf32>
    %broadcast_in_dim3A_8 = arith.constant 0.000000e+00 : f32
    %broadcast_in_dim3A_9 = vector.broadcast %broadcast_in_dim3A_8 : f32 to vector<16xf32>
    %broadcast_in_dim3A_10 = arith.constant 0.000000e+00 : f32
    %broadcast_in_dim3A_11 = vector.broadcast %broadcast_in_dim3A_10 : f32 to vector<16xf32>
    %broadcast_in_dim3A_12 = arith.constant 0.000000e+00 : f32
    %broadcast_in_dim3A_13 = vector.broadcast %broadcast_in_dim3A_12 : f32 to vector<16xf32>
    %broadcast_in_dim3A_14 = arith.constant 0.000000e+00 : f32
    %broadcast_in_dim3A_15 = vector.broadcast %broadcast_in_dim3A_14 : f32 to vector<16xf32>
    %scan3A = arith.constant 0 : i32
    %scan3A_16 = arith.constant 200 : i32
    %scan3A_17 = arith.addi %scan3A, %scan3A_16 : i32
    %scan3A_18 = arith.constant 1 : i32
    %scan3A_19:8 = scf.for %scan3A_115 = %scan3A to %scan3A_17 step %scan3A_18 iter_args(%scan3A_116 = %broadcast_in_dim3A_1, %scan3A_117 = %broadcast_in_dim3A_3, %scan3A_118 = %broadcast_in_dim3A_5, %scan3A_119 = %broadcast_in_dim3A_7, %scan3A_120 = %broadcast_in_dim3A_9, %scan3A_121 = %broadcast_in_dim3A_11, %scan3A_122 = %broadcast_in_dim3A_13, %scan3A_123 = %broadcast_in_dim3A_15) -> (vector<16xf32>, vector<16xf32>, vector<16xf32>, vector<16xf32>, vector<16xf32>, vector<16xf32>, vector<16xf32>, vector<16xf32>)  : i32 {
      %get3A = arith.index_cast %scan3A_115 : i32 to index
      %get3A_124 = arith.constant 0 : index
      %get3A_125 = tpu.vector_load %arg6[%get3A, %get3A_124] {strides = array<i32>} : memref<200x128xi32, #tpu.memory_space<vmem>>, vector<16xi32>,
      %shift_right_logical3A = arith.constant 7 : i32
      %shift_right_logical3A_126 = vector.broadcast %shift_right_logical3A : i32 to vector<16xi32>
      %shift_right_logical3A_127 = arith.shrui %get3A_125, %shift_right_logical3A_126 : vector<16xi32>
      %and3A = arith.constant 127 : i32
      %and3A_128 = vector.broadcast %and3A : i32 to vector<16xi32>
      %and3A_129 = arith.andi %get3A_125, %and3A_128 : vector<16xi32>
      %gather3A = tpu.vector_load_idx %arg5[%shift_right_logical3A_127, %and3A_129] : memref<800x128xf32, #tpu.memory_space<vmem>>[vector<16xi32>, vector<16xi32>], vector<16xf32>,
      %add3A_130 = arith.addf %scan3A_116, %gather3A : vector<16xf32>
      %get3A_131 = arith.index_cast %scan3A_115 : i32 to index
      %get3A_132 = arith.constant 16 : index
      %get3A_133 = tpu.vector_load %arg6[%get3A_131, %get3A_132] {strides = array<i32>} : memref<200x128xi32, #tpu.memory_space<vmem>>, vector<16xi32>,
      %shift_right_logical3A_134 = arith.constant 7 : i32
      %shift_right_logical3A_135 = vector.broadcast %shift_right_logical3A_134 : i32 to vector<16xi32>
      %shift_right_logical3A_136 = arith.shrui %get3A_133, %shift_right_logical3A_135 : vector<16xi32>
      %and3A_137 = arith.constant 127 : i32
      %and3A_138 = vector.broadcast %and3A_137 : i32 to vector<16xi32>
      %and3A_139 = arith.andi %get3A_133, %and3A_138 : vector<16xi32>
      %gather3A_140 = tpu.vector_load_idx %arg5[%shift_right_logical3A_136, %and3A_139] : memref<800x128xf32, #tpu.memory_space<vmem>>[vector<16xi32>, vector<16xi32>], vector<16xf32>,
      %add3A_141 = arith.addf %scan3A_117, %gather3A_140 : vector<16xf32>
      %get3A_142 = arith.index_cast %scan3A_115 : i32 to index
      %get3A_143 = arith.constant 32 : index
      %get3A_144 = tpu.vector_load %arg6[%get3A_142, %get3A_143] {strides = array<i32>} : memref<200x128xi32, #tpu.memory_space<vmem>>, vector<16xi32>,
      %shift_right_logical3A_145 = arith.constant 7 : i32
      %shift_right_logical3A_146 = vector.broadcast %shift_right_logical3A_145 : i32 to vector<16xi32>
      %shift_right_logical3A_147 = arith.shrui %get3A_144, %shift_right_logical3A_146 : vector<16xi32>
      %and3A_148 = arith.constant 127 : i32
      %and3A_149 = vector.broadcast %and3A_148 : i32 to vector<16xi32>
      %and3A_150 = arith.andi %get3A_144, %and3A_149 : vector<16xi32>
      %gather3A_151 = tpu.vector_load_idx %arg5[%shift_right_logical3A_147, %and3A_150] : memref<800x128xf32, #tpu.memory_space<vmem>>[vector<16xi32>, vector<16xi32>], vector<16xf32>,
      %add3A_152 = arith.addf %scan3A_118, %gather3A_151 : vector<16xf32>
      %get3A_153 = arith.index_cast %scan3A_115 : i32 to index
      %get3A_154 = arith.constant 48 : index
      %get3A_155 = tpu.vector_load %arg6[%get3A_153, %get3A_154] {strides = array<i32>} : memref<200x128xi32, #tpu.memory_space<vmem>>, vector<16xi32>,
      %shift_right_logical3A_156 = arith.constant 7 : i32
      %shift_right_logical3A_157 = vector.broadcast %shift_right_logical3A_156 : i32 to vector<16xi32>
      %shift_right_logical3A_158 = arith.shrui %get3A_155, %shift_right_logical3A_157 : vector<16xi32>
      %and3A_159 = arith.constant 127 : i32
      %and3A_160 = vector.broadcast %and3A_159 : i32 to vector<16xi32>
      %and3A_161 = arith.andi %get3A_155, %and3A_160 : vector<16xi32>
      %gather3A_162 = tpu.vector_load_idx %arg5[%shift_right_logical3A_158, %and3A_161] : memref<800x128xf32, #tpu.memory_space<vmem>>[vector<16xi32>, vector<16xi32>], vector<16xf32>,
      %add3A_163 = arith.addf %scan3A_119, %gather3A_162 : vector<16xf32>
      %get3A_164 = arith.index_cast %scan3A_115 : i32 to index
      %get3A_165 = arith.constant 64 : index
      %get3A_166 = tpu.vector_load %arg6[%get3A_164, %get3A_165] {strides = array<i32>} : memref<200x128xi32, #tpu.memory_space<vmem>>, vector<16xi32>,
      %shift_right_logical3A_167 = arith.constant 7 : i32
      %shift_right_logical3A_168 = vector.broadcast %shift_right_logical3A_167 : i32 to vector<16xi32>
      %shift_right_logical3A_169 = arith.shrui %get3A_166, %shift_right_logical3A_168 : vector<16xi32>
      %and3A_170 = arith.constant 127 : i32
      %and3A_171 = vector.broadcast %and3A_170 : i32 to vector<16xi32>
      %and3A_172 = arith.andi %get3A_166, %and3A_171 : vector<16xi32>
      %gather3A_173 = tpu.vector_load_idx %arg5[%shift_right_logical3A_169, %and3A_172] : memref<800x128xf32, #tpu.memory_space<vmem>>[vector<16xi32>, vector<16xi32>], vector<16xf32>,
      %add3A_174 = arith.addf %scan3A_120, %gather3A_173 : vector<16xf32>
      %get3A_175 = arith.index_cast %scan3A_115 : i32 to index
      %get3A_176 = arith.constant 80 : index
      %get3A_177 = tpu.vector_load %arg6[%get3A_175, %get3A_176] {strides = array<i32>} : memref<200x128xi32, #tpu.memory_space<vmem>>, vector<16xi32>,
      %shift_right_logical3A_178 = arith.constant 7 : i32
      %shift_right_logical3A_179 = vector.broadcast %shift_right_logical3A_178 : i32 to vector<16xi32>
      %shift_right_logical3A_180 = arith.shrui %get3A_177, %shift_right_logical3A_179 : vector<16xi32>
      %and3A_181 = arith.constant 127 : i32
      %and3A_182 = vector.broadcast %and3A_181 : i32 to vector<16xi32>
      %and3A_183 = arith.andi %get3A_177, %and3A_182 : vector<16xi32>
      %gather3A_184 = tpu.vector_load_idx %arg5[%shift_right_logical3A_180, %and3A_183] : memref<800x128xf32, #tpu.memory_space<vmem>>[vector<16xi32>, vector<16xi32>], vector<16xf32>,
      %add3A_185 = arith.addf %scan3A_121, %gather3A_184 : vector<16xf32>
      %get3A_186 = arith.index_cast %scan3A_115 : i32 to index
      %get3A_187 = arith.constant 96 : index
      %get3A_188 = tpu.vector_load %arg6[%get3A_186, %get3A_187] {strides = array<i32>} : memref<200x128xi32, #tpu.memory_space<vmem>>, vector<16xi32>,
      %shift_right_logical3A_189 = arith.constant 7 : i32
      %shift_right_logical3A_190 = vector.broadcast %shift_right_logical3A_189 : i32 to vector<16xi32>
      %shift_right_logical3A_191 = arith.shrui %get3A_188, %shift_right_logical3A_190 : vector<16xi32>
      %and3A_192 = arith.constant 127 : i32
      %and3A_193 = vector.broadcast %and3A_192 : i32 to vector<16xi32>
      %and3A_194 = arith.andi %get3A_188, %and3A_193 : vector<16xi32>
      %gather3A_195 = tpu.vector_load_idx %arg5[%shift_right_logical3A_191, %and3A_194] : memref<800x128xf32, #tpu.memory_space<vmem>>[vector<16xi32>, vector<16xi32>], vector<16xf32>,
      %add3A_196 = arith.addf %scan3A_122, %gather3A_195 : vector<16xf32>
      %get3A_197 = arith.index_cast %scan3A_115 : i32 to index
      %get3A_198 = arith.constant 112 : index
      %get3A_199 = tpu.vector_load %arg6[%get3A_197, %get3A_198] {strides = array<i32>} : memref<200x128xi32, #tpu.memory_space<vmem>>, vector<16xi32>,
      %shift_right_logical3A_200 = arith.constant 7 : i32
      %shift_right_logical3A_201 = vector.broadcast %shift_right_logical3A_200 : i32 to vector<16xi32>
      %shift_right_logical3A_202 = arith.shrui %get3A_199, %shift_right_logical3A_201 : vector<16xi32>
      %and3A_203 = arith.constant 127 : i32
      %and3A_204 = vector.broadcast %and3A_203 : i32 to vector<16xi32>
      %and3A_205 = arith.andi %get3A_199, %and3A_204 : vector<16xi32>
      %gather3A_206 = tpu.vector_load_idx %arg5[%shift_right_logical3A_202, %and3A_205] : memref<800x128xf32, #tpu.memory_space<vmem>>[vector<16xi32>, vector<16xi32>], vector<16xf32>,
      %add3A_207 = arith.addf %scan3A_123, %gather3A_206 : vector<16xf32>
      scf.yield %add3A_130, %add3A_141, %add3A_152, %add3A_163, %add3A_174, %add3A_185, %add3A_196, %add3A_207 : vector<16xf32>, vector<16xf32>, vector<16xf32>, vector<16xf32>, vector<16xf32>, vector<16xf32>, vector<16xf32>, vector<16xf32>
    }
    %scan3A_20 = arith.constant 200 : i32
    %neg3A = arith.constant 0.000000e+00 : f32
    %neg3A_21 = vector.broadcast %neg3A : f32 to vector<16xf32>
    %neg3A_22 = arith.subf %neg3A_21, %scan3A_19#0 : vector<16xf32>
    %exp3A = math.exp %neg3A_22 : vector<16xf32>
    %add3A_23 = arith.constant 1.000000e+00 : f32
    %add3A_24 = vector.broadcast %add3A_23 : f32 to vector<16xf32>
    %add3A_25 = arith.addf %add3A_24, %exp3A : vector<16xf32>
    %div3A = arith.constant 1.000000e+00 : f32
    %div3A_26 = vector.broadcast %div3A : f32 to vector<16xf32>
    %div3A_27 = arith.divf %div3A_26, %add3A_25 : vector<16xf32>
    %swap3A = arith.constant 0 : index
    %swap3A_28 = tpu.vector_load %arg7[%swap3A] {strides = array<i32>} : memref<128xf32, #tpu.memory_space<vmem>>, vector<16xf32>,
    tpu.vector_store %arg7[%swap3A], %div3A_27 {strides = array<i32>} : memref<128xf32, #tpu.memory_space<vmem>>, vector<16xf32>,
    %neg3A_29 = arith.constant 0.000000e+00 : f32
    %neg3A_30 = vector.broadcast %neg3A_29 : f32 to vector<16xf32>
    %neg3A_31 = arith.subf %neg3A_30, %scan3A_19#1 : vector<16xf32>
    %exp3A_32 = math.exp %neg3A_31 : vector<16xf32>
    %add3A_33 = arith.constant 1.000000e+00 : f32
    %add3A_34 = vector.broadcast %add3A_33 : f32 to vector<16xf32>
    %add3A_35 = arith.addf %add3A_34, %exp3A_32 : vector<16xf32>
    %div3A_36 = arith.constant 1.000000e+00 : f32
    %div3A_37 = vector.broadcast %div3A_36 : f32 to vector<16xf32>
    %div3A_38 = arith.divf %div3A_37, %add3A_35 : vector<16xf32>
    %swap3A_39 = arith.constant 16 : index
    %swap3A_40 = tpu.vector_load %arg7[%swap3A_39] {strides = array<i32>} : memref<128xf32, #tpu.memory_space<vmem>>, vector<16xf32>,
    tpu.vector_store %arg7[%swap3A_39], %div3A_38 {strides = array<i32>} : memref<128xf32, #tpu.memory_space<vmem>>, vector<16xf32>,
    %neg3A_41 = arith.constant 0.000000e+00 : f32
    %neg3A_42 = vector.broadcast %neg3A_41 : f32 to vector<16xf32>
    %neg3A_43 = arith.subf %neg3A_42, %scan3A_19#2 : vector<16xf32>
    %exp3A_44 = math.exp %neg3A_43 : vector<16xf32>
    %add3A_45 = arith.constant 1.000000e+00 : f32
    %add3A_46 = vector.broadcast %add3A_45 : f32 to vector<16xf32>
    %add3A_47 = arith.addf %add3A_46, %exp3A_44 : vector<16xf32>
    %div3A_48 = arith.constant 1.000000e+00 : f32
    %div3A_49 = vector.broadcast %div3A_48 : f32 to vector<16xf32>
    %div3A_50 = arith.divf %div3A_49, %add3A_47 : vector<16xf32>
    %swap3A_51 = arith.constant 32 : index
    %swap3A_52 = tpu.vector_load %arg7[%swap3A_51] {strides = array<i32>} : memref<128xf32, #tpu.memory_space<vmem>>, vector<16xf32>,
    tpu.vector_store %arg7[%swap3A_51], %div3A_50 {strides = array<i32>} : memref<128xf32, #tpu.memory_space<vmem>>, vector<16xf32>,
    %neg3A_53 = arith.constant 0.000000e+00 : f32
    %neg3A_54 = vector.broadcast %neg3A_53 : f32 to vector<16xf32>
    %neg3A_55 = arith.subf %neg3A_54, %scan3A_19#3 : vector<16xf32>
    %exp3A_56 = math.exp %neg3A_55 : vector<16xf32>
    %add3A_57 = arith.constant 1.000000e+00 : f32
    %add3A_58 = vector.broadcast %add3A_57 : f32 to vector<16xf32>
    %add3A_59 = arith.addf %add3A_58, %exp3A_56 : vector<16xf32>
    %div3A_60 = arith.constant 1.000000e+00 : f32
    %div3A_61 = vector.broadcast %div3A_60 : f32 to vector<16xf32>
    %div3A_62 = arith.divf %div3A_61, %add3A_59 : vector<16xf32>
    %swap3A_63 = arith.constant 48 : index
    %swap3A_64 = tpu.vector_load %arg7[%swap3A_63] {strides = array<i32>} : memref<128xf32, #tpu.memory_space<vmem>>, vector<16xf32>,
    tpu.vector_store %arg7[%swap3A_63], %div3A_62 {strides = array<i32>} : memref<128xf32, #tpu.memory_space<vmem>>, vector<16xf32>,
    %neg3A_65 = arith.constant 0.000000e+00 : f32
    %neg3A_66 = vector.broadcast %neg3A_65 : f32 to vector<16xf32>
    %neg3A_67 = arith.subf %neg3A_66, %scan3A_19#4 : vector<16xf32>
    %exp3A_68 = math.exp %neg3A_67 : vector<16xf32>
    %add3A_69 = arith.constant 1.000000e+00 : f32
    %add3A_70 = vector.broadcast %add3A_69 : f32 to vector<16xf32>
    %add3A_71 = arith.addf %add3A_70, %exp3A_68 : vector<16xf32>
    %div3A_72 = arith.constant 1.000000e+00 : f32
    %div3A_73 = vector.broadcast %div3A_72 : f32 to vector<16xf32>
    %div3A_74 = arith.divf %div3A_73, %add3A_71 : vector<16xf32>
    %swap3A_75 = arith.constant 64 : index
    %swap3A_76 = tpu.vector_load %arg7[%swap3A_75] {strides = array<i32>} : memref<128xf32, #tpu.memory_space<vmem>>, vector<16xf32>,
    tpu.vector_store %arg7[%swap3A_75], %div3A_74 {strides = array<i32>} : memref<128xf32, #tpu.memory_space<vmem>>, vector<16xf32>,
    %neg3A_77 = arith.constant 0.000000e+00 : f32
    %neg3A_78 = vector.broadcast %neg3A_77 : f32 to vector<16xf32>
    %neg3A_79 = arith.subf %neg3A_78, %scan3A_19#5 : vector<16xf32>
    %exp3A_80 = math.exp %neg3A_79 : vector<16xf32>
    %add3A_81 = arith.constant 1.000000e+00 : f32
    %add3A_82 = vector.broadcast %add3A_81 : f32 to vector<16xf32>
    %add3A_83 = arith.addf %add3A_82, %exp3A_80 : vector<16xf32>
    %div3A_84 = arith.constant 1.000000e+00 : f32
    %div3A_85 = vector.broadcast %div3A_84 : f32 to vector<16xf32>
    %div3A_86 = arith.divf %div3A_85, %add3A_83 : vector<16xf32>
    %swap3A_87 = arith.constant 80 : index
    %swap3A_88 = tpu.vector_load %arg7[%swap3A_87] {strides = array<i32>} : memref<128xf32, #tpu.memory_space<vmem>>, vector<16xf32>,
    tpu.vector_store %arg7[%swap3A_87], %div3A_86 {strides = array<i32>} : memref<128xf32, #tpu.memory_space<vmem>>, vector<16xf32>,
    %neg3A_89 = arith.constant 0.000000e+00 : f32
    %neg3A_90 = vector.broadcast %neg3A_89 : f32 to vector<16xf32>
    %neg3A_91 = arith.subf %neg3A_90, %scan3A_19#6 : vector<16xf32>
    %exp3A_92 = math.exp %neg3A_91 : vector<16xf32>
    %add3A_93 = arith.constant 1.000000e+00 : f32
    %add3A_94 = vector.broadcast %add3A_93 : f32 to vector<16xf32>
    %add3A_95 = arith.addf %add3A_94, %exp3A_92 : vector<16xf32>
    %div3A_96 = arith.constant 1.000000e+00 : f32
    %div3A_97 = vector.broadcast %div3A_96 : f32 to vector<16xf32>
    %div3A_98 = arith.divf %div3A_97, %add3A_95 : vector<16xf32>
    %swap3A_99 = arith.constant 96 : index
    %swap3A_100 = tpu.vector_load %arg7[%swap3A_99] {strides = array<i32>} : memref<128xf32, #tpu.memory_space<vmem>>, vector<16xf32>,
    tpu.vector_store %arg7[%swap3A_99], %div3A_98 {strides = array<i32>} : memref<128xf32, #tpu.memory_space<vmem>>, vector<16xf32>,
    %neg3A_101 = arith.constant 0.000000e+00 : f32
    %neg3A_102 = vector.broadcast %neg3A_101 : f32 to vector<16xf32>
    %neg3A_103 = arith.subf %neg3A_102, %scan3A_19#7 : vector<16xf32>
    %exp3A_104 = math.exp %neg3A_103 : vector<16xf32>
    %add3A_105 = arith.constant 1.000000e+00 : f32
    %add3A_106 = vector.broadcast %add3A_105 : f32 to vector<16xf32>
    %add3A_107 = arith.addf %add3A_106, %exp3A_104 : vector<16xf32>
    %div3A_108 = arith.constant 1.000000e+00 : f32
    %div3A_109 = vector.broadcast %div3A_108 : f32 to vector<16xf32>
    %div3A_110 = arith.divf %div3A_109, %add3A_107 : vector<16xf32>
    %swap3A_111 = arith.constant 112 : index
    %swap3A_112 = tpu.vector_load %arg7[%swap3A_111] {strides = array<i32>} : memref<128xf32, #tpu.memory_space<vmem>>, vector<16xf32>,
    tpu.vector_store %arg7[%swap3A_111], %div3A_110 {strides = array<i32>} : memref<128xf32, #tpu.memory_space<vmem>>, vector<16xf32>,
    %mul3A_113 = arith.constant 128 : i32
    %mul3A_114 = arith.muli %add3A, %mul3A_113 : i32
    "tpu.region"() ({
      %run_scoped3A = tpu.sem_alloc : memref<!tpu.dma_semaphore, #tpu.memory_space<semaphore_mem>>
      %dma_start3A = tpu.memref_slice %arg4[%mul3A_114] : memref<4096xf32, #tpu.memory_space<hbm>> -> memref<128xf32, #tpu.memory_space<hbm>>
      %dma_start3A_115 = tpu.memref_slice %arg4[%mul3A_114] : memref<4096xf32, #tpu.memory_space<hbm>> -> memref<128xf32, #tpu.memory_space<hbm>>
      tpu.enqueue_dma source(%arg7 : memref<128xf32, #tpu.memory_space<vmem>>) target(%dma_start3A_115 : memref<128xf32, #tpu.memory_space<hbm>>) target_semaphore(%run_scoped3A : memref<!tpu.dma_semaphore, #tpu.memory_space<semaphore_mem>>)
      %dma_wait3A = tpu.memref_slice %arg4[%mul3A_114] : memref<4096xf32, #tpu.memory_space<hbm>> -> memref<128xf32, #tpu.memory_space<hbm>>
      %dma_wait3A_116 = tpu.memref_slice %arg4[%mul3A_114] : memref<4096xf32, #tpu.memory_space<hbm>> -> memref<128xf32, #tpu.memory_space<hbm>>
      tpu.wait_dma2 semaphore(%run_scoped3A : memref<!tpu.dma_semaphore, #tpu.memory_space<semaphore_mem>>) src(%arg7 : memref<128xf32, #tpu.memory_space<vmem>>) dst(%dma_wait3A_116 : memref<128xf32, #tpu.memory_space<hbm>>)
      tpu.yield
    }) : () -> ()
    return
  }
}

module attributes {stable_mosaic.version = 14 : i64} {
  func.func @_scores_body(%arg0: i32, %arg1: memref<5120x64xf32, #tpu.memory_space<vmem>>, %arg2: memref<5120x64xf32, #tpu.memory_space<vmem>>, %arg3: memref<5120x64xf32, #tpu.memory_space<vmem>>, %arg4: memref<5120x64xf32, #tpu.memory_space<vmem>>, %arg5: memref<1x64xf32, #tpu.memory_space<vmem>>, %arg6: memref<1x1xf32, #tpu.memory_space<vmem>>, %arg7: memref<800x128xf32, #tpu.memory_space<vmem>>) attributes {dimension_semantics = [#tpu.dimension_semantics<arbitrary>], iteration_bounds = array<i64: 5>, scalar_prefetch = 0 : i64, scratch_operands = 0 : i64, tpu.core_type = #tpu.core_type<tc>, window_params = [{transform_indices = @transform_0, window_bounds = array<i64: 5120, 64>}, {transform_indices = @transform_1, window_bounds = array<i64: 5120, 64>}, {transform_indices = @transform_2, window_bounds = array<i64: 5120, 64>}, {transform_indices = @transform_3, window_bounds = array<i64: 5120, 64>}, {pipeline_mode = #tpu.pipeline_mode<synchronous>, transform_indices = @transform_4, window_bounds = array<i64: 1, 64>}, {pipeline_mode = #tpu.pipeline_mode<synchronous>, transform_indices = @transform_5, window_bounds = array<i64: 1, 1>}, {pipeline_mode = #tpu.pipeline_mode<synchronous>, transform_indices = @transform_6, window_bounds = array<i64: 800, 128>}]} {
    %get3A = arith.constant 0 : index
    %get3A_0 = arith.constant 0 : index
    %get3A_1 = vector.load %arg5[%get3A, %get3A_0] : memref<1x64xf32, #tpu.memory_space<vmem>>, vector<1x64xf32>
    %get3A_2 = arith.constant 0 : index
    %get3A_3 = arith.constant 0 : index
    %get3A_4 = vector.load %arg6[%get3A_2, %get3A_3] : memref<1x1xf32, #tpu.memory_space<vmem>>, vector<1x1xf32>
    %get3A_5 = vector.extract %get3A_4[0, 0] : f32 from vector<1x1xf32>
    %get3A_6 = arith.constant 0 : index
    %get3A_7 = arith.constant 0 : index
    %get3A_8 = vector.load %arg1[%get3A_6, %get3A_7] : memref<5120x64xf32, #tpu.memory_space<vmem>>, vector<5120x64xf32>
    %dot_general3A = arith.constant dense<0.000000e+00> : vector<1x5120xf32>
    %dot_general3A_9 = tpu.matmul %get3A_1, %get3A_8, %dot_general3A {dimension_numbers = #tpu.dot_dimension_numbers<[1], [1], [0], [0], [0, 0, 1, 0], [], []>, transpose_lhs_hint = false} : vector<1x64xf32>, vector<5120x64xf32>, vector<1x5120xf32> -> vector<1x5120xf32>
    %add3A = vector.broadcast %get3A_5 : f32 to vector<1x5120xf32>
    %add3A_10 = arith.addf %dot_general3A_9, %add3A : vector<1x5120xf32>
    %mul3A = arith.constant 5.000000e-03 : f32
    %mul3A_11 = vector.broadcast %mul3A : f32 to vector<1x5120xf32>
    %mul3A_12 = arith.mulf %add3A_10, %mul3A_11 : vector<1x5120xf32>
    %reshape3A = vector.shape_cast %mul3A_12 : vector<1x5120xf32> to vector<40x128xf32>
    %add3A_13 = arith.constant 0 : i32
    %add3A_14 = arith.addi %add3A_13, %arg0 : i32
    %mul3A_15 = arith.constant 40 : i32
    %mul3A_16 = arith.muli %add3A_14, %mul3A_15 : i32
    %swap3A = arith.index_cast %mul3A_16 : i32 to index
    %swap3A_17 = arith.constant 0 : index
    %swap3A_18 = vector.load %arg7[%swap3A, %swap3A_17] : memref<800x128xf32, #tpu.memory_space<vmem>>, vector<40x128xf32>
    tpu.vector_store %arg7[%swap3A, %swap3A_17], %reshape3A {strides = array<i32>} : memref<800x128xf32, #tpu.memory_space<vmem>>, vector<40x128xf32>,
    %get3A_19 = arith.constant 0 : index
    %get3A_20 = arith.constant 0 : index
    %get3A_21 = vector.load %arg2[%get3A_19, %get3A_20] : memref<5120x64xf32, #tpu.memory_space<vmem>>, vector<5120x64xf32>
    %dot_general3A_22 = arith.constant dense<0.000000e+00> : vector<1x5120xf32>
    %dot_general3A_23 = tpu.matmul %get3A_1, %get3A_21, %dot_general3A_22 {dimension_numbers = #tpu.dot_dimension_numbers<[1], [1], [0], [0], [0, 0, 1, 0], [], []>, transpose_lhs_hint = false} : vector<1x64xf32>, vector<5120x64xf32>, vector<1x5120xf32> -> vector<1x5120xf32>
    %add3A_24 = vector.broadcast %get3A_5 : f32 to vector<1x5120xf32>
    %add3A_25 = arith.addf %dot_general3A_23, %add3A_24 : vector<1x5120xf32>
    %mul3A_26 = arith.constant 5.000000e-03 : f32
    %mul3A_27 = vector.broadcast %mul3A_26 : f32 to vector<1x5120xf32>
    %mul3A_28 = arith.mulf %add3A_25, %mul3A_27 : vector<1x5120xf32>
    %reshape3A_29 = vector.shape_cast %mul3A_28 : vector<1x5120xf32> to vector<40x128xf32>
    %add3A_30 = arith.constant 5 : i32
    %add3A_31 = arith.addi %add3A_30, %arg0 : i32
    %mul3A_32 = arith.constant 40 : i32
    %mul3A_33 = arith.muli %add3A_31, %mul3A_32 : i32
    %swap3A_34 = arith.index_cast %mul3A_33 : i32 to index
    %swap3A_35 = arith.constant 0 : index
    %swap3A_36 = vector.load %arg7[%swap3A_34, %swap3A_35] : memref<800x128xf32, #tpu.memory_space<vmem>>, vector<40x128xf32>
    tpu.vector_store %arg7[%swap3A_34, %swap3A_35], %reshape3A_29 {strides = array<i32>} : memref<800x128xf32, #tpu.memory_space<vmem>>, vector<40x128xf32>,
    %get3A_37 = arith.constant 0 : index
    %get3A_38 = arith.constant 0 : index
    %get3A_39 = vector.load %arg3[%get3A_37, %get3A_38] : memref<5120x64xf32, #tpu.memory_space<vmem>>, vector<5120x64xf32>
    %dot_general3A_40 = arith.constant dense<0.000000e+00> : vector<1x5120xf32>
    %dot_general3A_41 = tpu.matmul %get3A_1, %get3A_39, %dot_general3A_40 {dimension_numbers = #tpu.dot_dimension_numbers<[1], [1], [0], [0], [0, 0, 1, 0], [], []>, transpose_lhs_hint = false} : vector<1x64xf32>, vector<5120x64xf32>, vector<1x5120xf32> -> vector<1x5120xf32>
    %add3A_42 = vector.broadcast %get3A_5 : f32 to vector<1x5120xf32>
    %add3A_43 = arith.addf %dot_general3A_41, %add3A_42 : vector<1x5120xf32>
    %mul3A_44 = arith.constant 5.000000e-03 : f32
    %mul3A_45 = vector.broadcast %mul3A_44 : f32 to vector<1x5120xf32>
    %mul3A_46 = arith.mulf %add3A_43, %mul3A_45 : vector<1x5120xf32>
    %reshape3A_47 = vector.shape_cast %mul3A_46 : vector<1x5120xf32> to vector<40x128xf32>
    %add3A_48 = arith.constant 10 : i32
    %add3A_49 = arith.addi %add3A_48, %arg0 : i32
    %mul3A_50 = arith.constant 40 : i32
    %mul3A_51 = arith.muli %add3A_49, %mul3A_50 : i32
    %swap3A_52 = arith.index_cast %mul3A_51 : i32 to index
    %swap3A_53 = arith.constant 0 : index
    %swap3A_54 = vector.load %arg7[%swap3A_52, %swap3A_53] : memref<800x128xf32, #tpu.memory_space<vmem>>, vector<40x128xf32>
    tpu.vector_store %arg7[%swap3A_52, %swap3A_53], %reshape3A_47 {strides = array<i32>} : memref<800x128xf32, #tpu.memory_space<vmem>>, vector<40x128xf32>,
    %get3A_55 = arith.constant 0 : index
    %get3A_56 = arith.constant 0 : index
    %get3A_57 = vector.load %arg4[%get3A_55, %get3A_56] : memref<5120x64xf32, #tpu.memory_space<vmem>>, vector<5120x64xf32>
    %dot_general3A_58 = arith.constant dense<0.000000e+00> : vector<1x5120xf32>
    %dot_general3A_59 = tpu.matmul %get3A_1, %get3A_57, %dot_general3A_58 {dimension_numbers = #tpu.dot_dimension_numbers<[1], [1], [0], [0], [0, 0, 1, 0], [], []>, transpose_lhs_hint = false} : vector<1x64xf32>, vector<5120x64xf32>, vector<1x5120xf32> -> vector<1x5120xf32>
    %add3A_60 = vector.broadcast %get3A_5 : f32 to vector<1x5120xf32>
    %add3A_61 = arith.addf %dot_general3A_59, %add3A_60 : vector<1x5120xf32>
    %mul3A_62 = arith.constant 5.000000e-03 : f32
    %mul3A_63 = vector.broadcast %mul3A_62 : f32 to vector<1x5120xf32>
    %mul3A_64 = arith.mulf %add3A_61, %mul3A_63 : vector<1x5120xf32>
    %reshape3A_65 = vector.shape_cast %mul3A_64 : vector<1x5120xf32> to vector<40x128xf32>
    %add3A_66 = arith.constant 15 : i32
    %add3A_67 = arith.addi %add3A_66, %arg0 : i32
    %mul3A_68 = arith.constant 40 : i32
    %mul3A_69 = arith.muli %add3A_67, %mul3A_68 : i32
    %swap3A_70 = arith.index_cast %mul3A_69 : i32 to index
    %swap3A_71 = arith.constant 0 : index
    %swap3A_72 = vector.load %arg7[%swap3A_70, %swap3A_71] : memref<800x128xf32, #tpu.memory_space<vmem>>, vector<40x128xf32>
    tpu.vector_store %arg7[%swap3A_70, %swap3A_71], %reshape3A_65 {strides = array<i32>} : memref<800x128xf32, #tpu.memory_space<vmem>>, vector<40x128xf32>,
    return
  }
  func.func @transform_0(%arg0: i32) -> (i32, i32) {
    %add3A = arith.constant 0 : i32
    %add3A_0 = arith.addi %add3A, %arg0 : i32
    %c0_i32 = arith.constant 0 : i32
    %c0_i32_1 = arith.constant 0 : i32
    return %add3A_0, %c0_i32 : i32, i32
  }
  func.func @transform_1(%arg0: i32) -> (i32, i32) {
    %add3A = arith.constant 5 : i32
    %add3A_0 = arith.addi %add3A, %arg0 : i32
    %c0_i32 = arith.constant 0 : i32
    %c0_i32_1 = arith.constant 0 : i32
    return %add3A_0, %c0_i32 : i32, i32
  }
  func.func @transform_2(%arg0: i32) -> (i32, i32) {
    %add3A = arith.constant 10 : i32
    %add3A_0 = arith.addi %add3A, %arg0 : i32
    %c0_i32 = arith.constant 0 : i32
    %c0_i32_1 = arith.constant 0 : i32
    return %add3A_0, %c0_i32 : i32, i32
  }
  func.func @transform_3(%arg0: i32) -> (i32, i32) {
    %add3A = arith.constant 15 : i32
    %add3A_0 = arith.addi %add3A, %arg0 : i32
    %c0_i32 = arith.constant 0 : i32
    %c0_i32_1 = arith.constant 0 : i32
    return %add3A_0, %c0_i32 : i32, i32
  }
  func.func @transform_4(%arg0: i32) -> (i32, i32) {
    %c0_i32 = arith.constant 0 : i32
    %c0_i32_0 = arith.constant 0 : i32
    %c0_i32_1 = arith.constant 0 : i32
    return %c0_i32, %c0_i32_0 : i32, i32
  }
  func.func @transform_5(%arg0: i32) -> (i32, i32) {
    %c0_i32 = arith.constant 0 : i32
    %c0_i32_0 = arith.constant 0 : i32
    %c0_i32_1 = arith.constant 0 : i32
    return %c0_i32, %c0_i32_0 : i32, i32
  }
  func.func @transform_6(%arg0: i32) -> (i32, i32) {
    %c0_i32 = arith.constant 0 : i32
    %c0_i32_0 = arith.constant 0 : i32
    %c0_i32_1 = arith.constant 0 : i32
    return %c0_i32, %c0_i32_0 : i32, i32
  }
}

</mosaic_0001>

<sc_bundles>
// kernel: kernel.4.cloned.1.call-start
scs
__scs_entry_jumppad:
0x0: {  	(pc) =	sbr.rel $0x88, $3  }
0x1: {  	(tag) =	ssettag $0x0;
	lr =	simm.s32 $0x1  }
0x2: {  	[smem:$0x3F9D] =	sst lr;
	_ =	strace $0xD0000000  }
0x3: {  	_ = 	snop  }
0x4: {  	_ = 	snop  }
0x5: {  	_ = 	snop  }
0x6: {  	_ = 	snop  }
0x7: {  	_ = 	snop  }
__scs_overlays_trampoline_lowered:
0x8: {  	[smem:$0x3FAC] =	sst s0  }
0x9: {  	[smem:$0x3FAD] =	sst s1  }
0xa: {  	[smem:$0x3FAE] =	sst s2  }
0xb: {  	[smem:$0x3FAF] =	sst s3  }
0xc: {  	[smem:$0x3FB0] =	sst s4  }
0xd: {  	[smem:$0x3FB1] =	sst s5  }
0xe: {  	[smem:$0x3FB2] =	sst s6  }
0xf: {  	[smem:$0x3FB3] =	sst s7  }
0x10: {  	[smem:$0x3FB4] =	sst s8  }
0x11: {  	[smem:$0x3FB5] =	sst s9;
	s0 =	simm.s32 @!p0 $0x0  }
0x12: {  	s1 =	sld [smem:$0x3F9B];
	s0 =	simm.s32 @p0 $0x1  }
0x13: {  	[smem:$0x3FB6] =	sst s0;
	s0 =	simm.s32 @!p1 $0x0  }
0x14: {  	s2 =	sld [smem:$0x3F9A];
	s0 =	simm.s32 @p1 $0x1  }
0x15: {  	[smem:$0x3FB7] =	sst s0;
	s0 =	simm.s32 @!p2 $0x0  }
0x16: {  	s3 =	sld [smem:$0x3FDB];
	s0 =	simm.s32 @p2 $0x1  }
0x17: {  	s4 =	simm.s32 $0x1BF5;
	[smem:$0x3FB9] =	sst s0  }
0x18: {  	s0 =	sld [smem:$0x3F9C];
	_ =	swait.ge [sflag:s4], $0x0  }
0x19: {  	s7 =	sld [smem:$0x3F9D]  }
0x1a: {  	s8 =	sadd.s32 $0xFFFFE003, lr  }
0x1b: {  	s9 =	sadd.s32 $0xFFFFFEF7, lr;
	s5 =	simm.s32 $0xFFFFFFFF;
	p2 =	slt.u32 s8, $0xFFFFF086  }
0x1c: {  	p1 =	slt.u32 s9, $0xF7A;
	s5 =	simm.s32 @!p2 $0x0  }
0x1d: {  	s5 =	simm.s32 @p1 $0x1;
	p0 =	seq.s32 s7, s2  }
0x1e: {  	s7 =	smul.u32 @!p0 $0xF7A, s2;
	p2 =	seq.s32 @!p0 s5, $0x0  }
0x1f: {  	s9 =	smul.u32 $0xF7A, s1;
	s8 =	simm.s32 @!p0 $0x1BF5;
	p2 =	por !p2, p0  }
0x20: {  	[sflag:s8] =	ssyncset.s32 @!p0 $0xFFFFF086;
	s6 =	sadd.s32 @!p0 s3, s7;
	s7 =	simm.s32 @!p0 $0x108  }
0x21: {  	s3 =	sadd.s32 s3, s9;
	s6 =	sadd.s32 @!p0 $0x88, s6;
	s7 =	simm.s32 @p2 $0x1082  }
0x22: {  	[simem:s7], [sflag:s8] =	dma.local @!p0 [hbm:s6], $0xF7A  }
0x23: {  	s9 =	sor.u32 $0xD0000000, s2;
	s6 =	simm.s32 $0x108;
	_ =	swait.ge @!p0 [sflag:s8], $0x0  }
0x24: {  	s3 =	sadd.s32 $0x88, s3;
	s6 =	simm.s32 @!p1 $0x1082;
	[sflag:s4] =	ssyncset.s32 $0xFFFFF086  }
0x25: {  	[simem:s6], [sflag:s4] =	dma.local [hbm:s3], $0xF7A  }
0x26: {  	[smem:$0x3F9D] =	sst s1;
	(tag) =	ssettag s2;
	_ =	strace s9  }
0x27: {  	s1 =	sld [smem:$0x3FAD]  }
0x28: {  	s2 =	sld [smem:$0x3FAE]  }
0x29: {  	s4 =	sld [smem:$0x3FB0]  }
0x2a: {  	p0 =	seq.s32 s5, $0x0;
	s5 =	sld [smem:$0x3FB1]  }
0x2b: {  	s6 =	sld [smem:$0x3FB2]  }
0x2c: {  	s7 =	sld [smem:$0x3FB3]  }
0x2d: {  	s3 =	simm.s32 $0x108;
	s8 =	sld [smem:$0x3FB4]  }
0x2e: {  	s3 =	simm.s32 @!p0 $0x1082;
	s9 =	sld [smem:$0x3FB5]  }
0x2f: {  	lr =	sadd.s32 s0, s3;
	s0 =	sld [smem:$0x3FAC]  }
0x30: {  	s3 =	sld [smem:$0x3FAF]  }
0x31: {  	[smem:$0x3FB8] =	sst s10  }
0x32: {  	s10 =	sld [smem:$0x3FB6];
	_ =	sdelay $0x3  }
0x33: {  	p0 =	seq.s32 s10, $0x1;
	s10 =	sld [smem:$0x3FB8];
	_ =	sdelay $0x3  }
0x34: {  	[smem:$0x3FB8] =	sst s10  }
0x35: {  	s10 =	sld [smem:$0x3FB7];
	_ =	sdelay $0x3  }
0x36: {  	p1 =	seq.s32 s10, $0x1;
	s10 =	sld [smem:$0x3FB8];
	_ =	sdelay $0x3  }
0x37: {  	[smem:$0x3FB8] =	sst s10  }
0x38: {  	s10 =	sld [smem:$0x3FB9]  }
0x39: {  	_ = 	snop;
	(pc) =	sbr.ind lr, $3  }
0x3a: {  	_ = 	snop  }
0x3b: {  	_ = 	snop  }
0x3c: {  	p2 =	seq.s32 s10, $0x1;
	s10 =	sld [smem:$0x3FB8]  }
0x3d: {  	_ =	shalt  }
0x3e: {  	_ =	shalt  }
0x3f: {  	_ =	shalt  }
0x40: {  	_ =	shalt  }
0x41: {  	_ =	shalt  }
0x42: {  	_ =	shalt  }
0x43: {  	_ =	shalt  }
0x44: {  	_ =	shalt  }
0x45: {  	_ =	shalt  }
0x46: {  	_ =	shalt  }
0x47: {  	_ =	shalt  }
0x48: {  	_ =	shalt  }
0x49: {  	_ =	shalt  }
0x4a: {  	_ =	shalt  }
0x4b: {  	_ =	shalt  }
0x4c: {  	_ =	shalt  }
0x4d: {  	_ =	shalt  }
0x4e: {  	_ =	shalt  }
0x4f: {  	_ =	shalt  }
0x50: {  	_ =	shalt  }
0x51: {  	_ =	shalt  }
0x52: {  	_ =	shalt  }
0x53: {  	_ =	shalt  }
0x54: {  	_ =	shalt  }
0x55: {  	_ =	shalt  }
0x56: {  	_ =	shalt  }
0x57: {  	_ =	shalt  }
0x58: {  	_ =	shalt  }
0x59: {  	_ =	shalt  }
0x5a: {  	_ =	shalt  }
0x5b: {  	_ =	shalt  }
0x5c: {  	_ =	shalt  }
0x5d: {  	_ =	shalt  }
0x5e: {  	_ =	shalt  }
0x5f: {  	_ =	shalt  }
0x60: {  	_ =	shalt  }
0x61: {  	_ =	shalt  }
0x62: {  	_ =	shalt  }
0x63: {  	_ =	shalt  }
0x64: {  	_ =	shalt  }
0x65: {  	_ =	shalt  }
0x66: {  	_ =	shalt  }
0x67: {  	_ =	shalt  }
0x68: {  	_ =	shalt  }
0x69: {  	_ =	shalt  }
0x6a: {  	_ =	shalt  }
0x6b: {  	_ =	shalt  }
0x6c: {  	_ =	shalt  }
0x6d: {  	_ =	shalt  }
0x6e: {  	_ =	shalt  }
0x6f: {  	_ =	shalt  }
0x70: {  	_ =	shalt  }
0x71: {  	_ =	shalt  }
0x72: {  	_ =	shalt  }
0x73: {  	_ =	shalt  }
0x74: {  	_ =	shalt  }
0x75: {  	_ =	shalt  }
0x76: {  	_ =	shalt  }
0x77: {  	_ =	shalt  }
0x78: {  	_ =	shalt  }
0x79: {  	_ =	shalt  }
0x7a: {  	_ =	shalt  }
0x7b: {  	_ =	shalt  }
0x7c: {  	_ =	shalt  }
0x7d: {  	_ =	shalt  }
0x7e: {  	_ =	shalt  }
0x7f: {  	_ =	shalt  }
0x80: {  	_ =	shalt  }
0x81: {  	_ =	shalt  }
0x82: {  	_ =	shalt  }
0x83: {  	_ =	shalt  }
0x84: {  	_ =	shalt  }
0x85: {  	_ =	shalt  }
0x86: {  	_ =	shalt  }
0x87: {  	_ =	shalt  }
.Lfunc_end0:
.L_simem_size_0:
called_computation_lowered:
.L_overlay_start_0:
0x88: {  	s2 =	sld [smem:$0x3FD9]  }
0x89: {  	s3 =	sld [smem:$0x3FFE];
	_ =	sdelay $0x1  }
0x8a: {  	s1 =	srdreg.scid  }
0x8b: {  	s0 =	sand.u32 $0x1, s1  }
0x8c: {  	s17 =	sshll.u32 s0, $0xA;
	s2 =	sadd.s32 s3, s2  }
0x8d: {  	s2 =	sadd.s32 s2, s17  }
0x8e: {  	[smem:$0x3FC4] =	sst s2  }
0x8f: {  	_ = 	snop  }
0x90: {  	s2 =	sld [smem:$0x3FD0];
	(tm) =	ssettm $0x1  }
0x91: {  	s18 =	sld [smem:$0x3FFB];
	_ =	sdelay $0x3  }
0x92: {  	_ =	strace s18  }
0x93: {  	s3 =	sld [smem:$0x3FFC];
	_ =	sdelay $0x3  }
0x94: {  	_ =	strace s3  }
0x95: {  	s3 =	sld [smem:$0x3FFD];
	_ =	sdelay $0x3  }
0x96: {  	_ =	strace s3  }
0x97: {  	_ =	strace $0x8FFFFFFF  }
0x98: {  	s19 =	sld [smem:$0x3FDB];
	_ =	sdelay $0x1  }
0x99: {  	s4 =	simm.s32 $_scs_section_size  }
0x9a: {  	s5 =	simm.s32 $_size__tile_overlayer_lowered;
	s6 =	simm.s32 $_tile_overlayer_lowered  }
0x9b: {  	s22 =	simm.s32 $0x1BFF;
	s21 =	sshll.u32 s6, $0x1;
	s3 =	sadd.s32 s4, s19  }
0x9c: {  	s7 =	simm.s32 $0x0;
	s20 =	sshll.u32 s5, $0x1;
	s5 =	sadd.s32 s21, s3  }
0x9d: {  	[timem:s7], [sflag:s22] =	dma.local [hbm:s5], s20  }
0x9e: {  	_ =	swait.ge [sflag:s22], s20  }
0x9f: {  	s4 =	ssub.s32 $0x0, s20;
	[sflag:s22] =	ssyncset.done $0x0  }
0xa0: {  	[sflag:s22] =	ssyncadd.s32 s4;
	_ =	sdelay $0x1  }
0xa1: {  	s23 =	simm.s32 $0x1B8B  }
0xa2: {  	_ =	swait.ge [sflag:s23], $0x1  }
0xa3: {  	[sflag:s23] =	ssyncset.done $0x0  }
0xa4: {  	s25 =	simm.s32 $0x1B8E;
	s24 =	sld [smem:$0x3FFE];
	[sflag:s23] =	ssyncadd.s32 $0xFFFFFFFF  }
0xa5: {  	s26 =	simm.s32 $execute0_lowered;
	[smem:$0x3FD2] =	sst s25  }
0xa6: {  	s5 =	sshll.u32 s26, $0x1;
	_ =	strace $0x80000046;
	[dreg:$0x1] =	wrdreg $0xFFFFFFFF  }
0xa7: {  	s28 =	simm.s32 $_size_execute0_lowered;
	s3 =	sadd.s32 s3, s5;
	[dreg:$0x0] =	wrdreg $0x0  }
0xa8: {  	s5 =	sshll.u32 s28, $0x1;
	[dreg:$0x2] =	wrdreg s3  }
0xa9: {  	[dreg:$0x3] =	wrdreg s5  }
0xaa: {  	[dreg:$0x4] =	wrdreg $0xC0  }
0xab: {  	_ =	task [dreg:s7], $0x5FFFF  }
0xac: {  	[dreg:$0x1] =	wrdreg $0xFFFFFFFF  }
0xad: {  	[dreg:$0x0] =	wrdreg $0x60  }
0xae: {  	[dreg:$0x2] =	wrdreg s24  }
0xaf: {  	[dreg:$0x3] =	wrdreg s2  }
0xb0: {  	[dreg:$0x4] =	wrdreg $0x9  }
0xb1: {  	_ =	task.clear_ibuf [dreg:s7], $0x5FFFF;
	_ =	strace $0x90000046  }
0xb2: {  	s29 =	simm.s32 $0x9;
	_ =	strace $0x80000048  }
0xb3: {  	_ =	swait.ge [sflag:s29], $0x1  }
0xb4: {  	[sflag:s29] =	ssyncadd.s32 $0xFFFFFFFF  }
0xb5: {  	_ =	strace $0x90000048  }
0xb6: {  	_ =	sfence  }
0xb7: {  	s30 =	sld [smem:$0x0];
	_ =	sdelay $0x2  }
0xb8: {  	s31 =	sshll.u32 s1, $0xD;
	s1 =	sshrl.u32 s1, $0x2  }
0xb9: {  	s3 =	sand.u32 $0x4000, s31;
	s1 =	sadd.s32 s1, s30  }
0xba: {  	s0 =	sor.u32 s3, s0;
	s1 =	sshll.u32 s1, $0x11  }
0xbb: {  	s0 =	sor.u32 s1, s0  }
0xbc: {  	s0 =	sadd.s32 $0x8F2B, s0  }
0xbd: {  	[sflag:s0] =	ssyncadd.remote.s32 $0x1  }
0xbe: {  	_ =	sfence.sel $0xFFFF  }
0xbf: {  	[dreg:$0x0] =	wrdreg $0xFFFFFFFF;
	(pc) =	sbr.abs _section_cstart, $3  }
0xc0: {  	[dreg:$0x1] =	wrdreg $0xFFFFFFFF  }
0xc1: {  	_ =	task.clear_ibuf [dreg:s7], $0x2FFFF;
	_ =	strace $0x9FFFFFFF  }
0xc2: {  	(tm) =	ssettm $0x7FFFFFFF  }
0xc3: {  	_ =	shalt  }
tec
execute0_lowered:
.L_overlay_start_1:
0x0: {  	(tag) =	ssettag $0x1  }
0x1: {  	s4 =	rddreg [dreg:$0x0];
	s1 =	srdreg.scid  }
0x2: {  	s0 =	stileid.u32;
	s5 =	rddreg [dreg:$0x1]  }
0x3: {  	s2 =	simm.s32 $0x0;
	s9 =	simm.s32 $0x1F400;
	s10 =	simm.s32 $0x0  }
0x4: {  	s3 =	sand.u32 $0x1, s1;
	s6 =	sshll.u32 s0, $0x1;
	[smem:$0x7FF] =	sst s2  }
0x5: {  	s1 =	rddreg [dreg:$0x2];
	s6 =	sor.u32 s3, s6;
	_ =	strace $0x80000047  }
0x6: {  	s8 =	ssub.s32 $0x2, s3;
	s7 =	smul.u32 $0xC80, s6;
	s6 =	sshll.u32 s6, $0x4  }
0x7: {  	s3 =	sadd.s32 $0xC00, s4;
	s31 =	sshrl.u32 s8, $0x1;
	s5 =	sadd.s32 s5, s6  }
0x8: {  	s4 =	sadd.s32 s7, s4;
	s7 =	ssub.s32 s8, s31;
	s8 =	simm.s32 $0x19000  }
0x9: {  	s4 =	sadd.s32 $0x187600, s4;
	s6 =	smax.u32 s7, $0x1;
	s7 =	simm.s32 $0x1  }
.LBB2_1:
0xa: {  	[tilespmem:s2], [sflag:$0x1] =	stream.linear.gather [hbm4b:s3+s2], $0x19000, $0x38;
	[tilespmem:$0x1F480] =	vst v63  }
0xb: {  	_ =	swait.ge [sflag:s7], $0x19000  }
0xc: {  	[sflag:s7] =	ssyncset.done $0x0  }
0xd: {  	[sflag:s7] =	ssyncadd.s32 $0xFFFE7000  }
0xe: {  	[tilespmem:s8], [sflag:$0x1] =	stream.linear.gather [hbm4b:s4+s2], $0x6400, $0x38;
	[tilespmem:$0x1F480] =	vst v63  }
0xf: {  	_ =	swait.ge [sflag:s7], $0x6400  }
0x10: {  	[sflag:s7] =	ssyncset.done $0x0  }
0x11: {  	s11 =	simm.s32 $0x0;
	[sflag:s7] =	ssyncadd.s32 $0xFFFF9C00  }
0x12: {  	v0 =	vld [tilespmem:s11+$0x19070]  }
0x13: {  	v1 =	vld [tilespmem:s11+$0x19000]  }
0x14: {  	v2 =	vld [tilespmem:s11+$0x19010]  }
0x15: {  	v3 =	vld [tilespmem:s11+$0x19020]  }
0x16: {  	v4 =	vld [tilespmem:s11+$0x19030]  }
0x17: {  	v5 =	vld [tilespmem:s11+$0x19040]  }
0x18: {  	v6 =	vld [tilespmem:s11+$0x19050]  }
0x19: {  	v14 =	vld [tilespmem:s11+$0x19060]  }
0x1a: {  	v0 =	vld.idx.msk [tilespmem:v0+s2+$0x0], $0xffff  }
0x1b: {  	v1 =	vld.idx.msk [tilespmem:v1+s2+$0x0], $0xffff  }
0x1c: {  	v13 =	vld.idx.msk [tilespmem:v2+s2+$0x0], $0xffff  }
0x1d: {  	v12 =	vld.idx.msk [tilespmem:v3+s2+$0x0], $0xffff  }
0x1e: {  	v10 =	vld.idx.msk [tilespmem:v4+s2+$0x0], $0xffff  }
0x1f: {  	v9 =	vimm.f32 $0.0e+00;
	v8 =	vimm.f32 $0.0e+00;
	v7 =	vld.idx.msk [tilespmem:v5+s2+$0x0], $0xffff  }
0x20: {  	v5 =	vld.idx.msk [tilespmem:v6+s2+$0x0], $0xffff;
	v6 =	vimm.f32 $0.0e+00;
	v3 =	vimm.f32 $0.0e+00;
	v2 =	vimm.f32 $0.0e+00  }
0x21: {  	s12 =	simm.s32 $0x400;
	s11 =	simm.s32 $0x80;
	v4 =	vld.idx.msk [tilespmem:v14+s2+$0x0], $0xffff;
	v0 =	vadd.f32 v0, v9;
	v11 =	vadd.f32 v1, v9;
	v1 =	vimm.f32 $0.0e+00  }
.LBB2_2:
0x22: {  	p0 =	sne.s32 s12, $0x18E00;
	v14 =	vld [tilespmem:s11+$0x19070];
	v9 =	vadd.f32 v13, v9  }
0x23: {  	v8 =	vadd.f32 v12, v8;
	v13 =	vld [tilespmem:s11+$0x19000]  }
0x24: {  	v6 =	vadd.f32 v10, v6;
	v12 =	vld [tilespmem:s11+$0x19010]  }
0x25: {  	v3 =	vadd.f32 v7, v3;
	v10 =	vld [tilespmem:s11+$0x19020]  }
0x26: {  	v2 =	vadd.f32 v5, v2;
	v7 =	vld [tilespmem:s11+$0x19030]  }
0x27: {  	v1 =	vadd.f32 v4, v1;
	v5 =	vld [tilespmem:s11+$0x19040]  }
0x28: {  	v4 =	vld [tilespmem:s11+$0x19050]  }
0x29: {  	v15 =	vld [tilespmem:s11+$0x19060]  }
0x2a: {  	v14 =	vld.idx.msk [tilespmem:v14+s2+$0x0], $0xffff  }
0x2b: {  	v16 =	vld.idx.msk [tilespmem:v13+s2+$0x0], $0xffff  }
0x2c: {  	v13 =	vld.idx.msk [tilespmem:v12+s2+$0x0], $0xffff  }
.Ltmp0:
0x2d: {  	v12 =	vld.idx.msk [tilespmem:v10+s2+$0x0], $0xffff;
	(pc) =	sbr.rel @p0 .LBB2_2-.Ltmp0, $4  }
0x2e: {  	v10 =	vld.idx.msk [tilespmem:v7+s2+$0x0], $0xffff  }
0x2f: {  	v7 =	vld.idx.msk [tilespmem:v5+s2+$0x0], $0xffff  }
0x30: {  	v0 =	vadd.f32 v14, v0;
	v5 =	vld.idx.msk [tilespmem:v4+s2+$0x0], $0xffff  }
0x31: {  	s11 =	sshra.s32 s12, $0x2;
	s12 =	sadd.s32 $0x200, s12;
	v11 =	vadd.f32 v16, v11;
	v4 =	vld.idx.msk [tilespmem:v15+s2+$0x0], $0xffff  }
0x32: {  	v14 =	vld [tilespmem:s11+$0x19000];
	_ =	sdelay $0x7  }
0x33: {  	v14 =	vld.idx.msk [tilespmem:v14+s2+$0x0], $0xffff;
	_ =	sdelay $0x4  }
0x34: {  	v15 =	vld [tilespmem:s11+$0x19010];
	v11 =	vadd.f32 v14, v11;
	_ =	sdelay $0x1  }
0x35: {  	v11 =	vsub.f32 $0.0e+00, v11;
	_ =	sdelay $0x1  }
0x36: {  	v11 =	vmul.f32 $1.442695020e+00, v11;
	_ =	sdelay $0x1  }
0x37: {  	(erf) = vpow2.f32 v11;
	_ =	sdelay $0x1  }
0x38: {  	v35 =	vld.idx.msk [tilespmem:v15+s2+$0x0], $0xffff;
	_ =	sdelay $0x2  }
0x39: {  	v9 =	vadd.f32 v13, v9;
	_ =	sdelay $0x1  }
0x3a: {  	v36 =	vld [tilespmem:s11+$0x19020];
	v9 =	vadd.f32 v35, v9;
	_ =	sdelay $0x1  }
0x3b: {  	v9 =	vsub.f32 $0.0e+00, v9;
	v37 =	vpop (erf)  }
0x3c: {  	v11 =	vadd.f32 $1.000000000e+00, v37  }
0x3d: {  	v9 =	vmul.f32 $1.442695020e+00, v9  }
0x3e: {  	(erf) = vrcp.f32 v11  }
0x3f: {  	(erf) = vpow2.f32 v9;
	_ =	sdelay $0x1  }
0x40: {  	v38 =	vld.idx.msk [tilespmem:v36+s2+$0x0], $0xffff;
	_ =	sdelay $0x2  }
0x41: {  	v8 =	vadd.f32 v12, v8;
	_ =	sdelay $0x1  }
0x42: {  	v39 =	vld [tilespmem:s11+$0x19030];
	v8 =	vadd.f32 v38, v8  }
0x43: {  	v40 =	vpop (erf)  }
0x44: {  	v8 =	vsub.f32 $0.0e+00, v8;
	v41 =	vpop (erf)  }
0x45: {  	v12 =	vadd.f32 $1.000000000e+00, v41  }
0x46: {  	v8 =	vmul.f32 $1.442695020e+00, v8  }
0x47: {  	(erf) = vrcp.f32 v12  }
0x48: {  	(erf) = vpow2.f32 v8;
	_ =	sdelay $0x1  }
0x49: {  	v42 =	vld.idx.msk [tilespmem:v39+s2+$0x0], $0xffff;
	_ =	sdelay $0x2  }
0x4a: {  	v6 =	vadd.f32 v10, v6;
	_ =	sdelay $0x1  }
0x4b: {  	v43 =	vld [tilespmem:s11+$0x19040];
	v6 =	vadd.f32 v42, v6  }
0x4c: {  	v44 =	vpop (erf)  }
0x4d: {  	v6 =	vsub.f32 $0.0e+00, v6;
	v45 =	vpop (erf)  }
0x4e: {  	v11 =	vadd.f32 $1.000000000e+00, v45  }
0x4f: {  	v6 =	vmul.f32 $1.442695020e+00, v6  }
0x50: {  	(erf) = vrcp.f32 v11  }
0x51: {  	(erf) = vpow2.f32 v6;
	_ =	sdelay $0x1  }
0x52: {  	v46 =	vld.idx.msk [tilespmem:v43+s2+$0x0], $0xffff;
	_ =	sdelay $0x2  }
0x53: {  	v3 =	vadd.f32 v7, v3;
	_ =	sdelay $0x1  }
0x54: {  	v47 =	vld [tilespmem:s11+$0x19050];
	v3 =	vadd.f32 v46, v3  }
0x55: {  	v48 =	vpop (erf)  }
0x56: {  	v3 =	vsub.f32 $0.0e+00, v3;
	v49 =	vpop (erf)  }
0x57: {  	v10 =	vadd.f32 $1.000000000e+00, v49  }
0x58: {  	v3 =	vmul.f32 $1.442695020e+00, v3  }
0x59: {  	(erf) = vrcp.f32 v10  }
0x5a: {  	(erf) = vpow2.f32 v3;
	_ =	sdelay $0x1  }
0x5b: {  	v50 =	vld.idx.msk [tilespmem:v47+s2+$0x0], $0xffff;
	_ =	sdelay $0x2  }
0x5c: {  	v2 =	vadd.f32 v5, v2;
	_ =	sdelay $0x1  }
0x5d: {  	v51 =	vld [tilespmem:s11+$0x19060];
	v2 =	vadd.f32 v50, v2  }
0x5e: {  	v52 =	vpop (erf)  }
0x5f: {  	v2 =	vsub.f32 $0.0e+00, v2;
	v53 =	vpop (erf)  }
0x60: {  	v7 =	vadd.f32 $1.000000000e+00, v53  }
0x61: {  	v2 =	vmul.f32 $1.442695020e+00, v2  }
0x62: {  	(erf) = vrcp.f32 v7  }
0x63: {  	(erf) = vpow2.f32 v2;
	_ =	sdelay $0x1  }
0x64: {  	v54 =	vld.idx.msk [tilespmem:v51+s2+$0x0], $0xffff;
	_ =	sdelay $0x2  }
0x65: {  	v1 =	vadd.f32 v4, v1;
	_ =	sdelay $0x1  }
0x66: {  	v55 =	vld [tilespmem:s11+$0x19070];
	v1 =	vadd.f32 v54, v1  }
0x67: {  	v56 =	vpop (erf)  }
0x68: {  	v1 =	vsub.f32 $0.0e+00, v1;
	v57 =	vpop (erf)  }
0x69: {  	v5 =	vadd.f32 $1.000000000e+00, v57  }
0x6a: {  	v1 =	vmul.f32 $1.442695020e+00, v1  }
0x6b: {  	(erf) = vrcp.f32 v5  }
0x6c: {  	(erf) = vpow2.f32 v1;
	_ =	sdelay $0x1  }
0x6d: {  	v58 =	vld.idx.msk [tilespmem:v55+s2+$0x0], $0xffff;
	_ =	sdelay $0x4  }
0x6e: {  	v0 =	vadd.f32 v58, v0  }
0x6f: {  	v59 =	vpop (erf)  }
0x70: {  	v0 =	vsub.f32 $0.0e+00, v0;
	v60 =	vpop (erf)  }
0x71: {  	v4 =	vadd.f32 $1.000000000e+00, v60  }
0x72: {  	v0 =	vmul.f32 $1.442695020e+00, v0  }
0x73: {  	(erf) = vrcp.f32 v4  }
0x74: {  	(erf) = vpow2.f32 v0;
	_ =	sdelay $0x7  }
0x75: {  	v61 =	vpop (erf)  }
0x76: {  	v62 =	vpop (erf)  }
0x77: {  	v4 =	vadd.f32 $1.000000000e+00, v62;
	_ =	sdelay $0x1  }
0x78: {  	(erf) = vrcp.f32 v4;
	_ =	sdelay $0x2  }
0x79: {  	[tilespmem:$0x1F400] =	vst v40  }
0x7a: {  	[tilespmem:$0x1F410] =	vst v44  }
0x7b: {  	[tilespmem:$0x1F420] =	vst v48  }
0x7c: {  	[tilespmem:$0x1F430] =	vst v52  }
0x7d: {  	[tilespmem:$0x1F440] =	vst v56  }
0x7e: {  	s10 =	sadd.s32 $0x1, s10;
	[tilespmem:$0x1F450] =	vst v59  }
0x7f: {  	p0 =	sne.s32 s10, s6;
	[tilespmem:$0x1F460] =	vst v61;
	v63 =	vpop (erf)  }
.Ltmp1:
0x80: {  	[tilespmem:$0x1F470] =	vst v63;
	(pc) =	sbr.rel @p0 .LBB2_1-.Ltmp1, $4  }
0x81: {  	[hbm4b:s5+s2] =	stream.linear.scatter [tilespmem:s9], [sflag:$0x1], $0x80, $0x38;
	[tilespmem:$0x1F480] =	vst v63  }
0x82: {  	_ =	swait.ge [sflag:s7], $0x80  }
0x83: {  	[sflag:s7] =	ssyncset.done $0x0  }
0x84: {  	[sflag:s7] =	ssyncadd.s32 $0xFFFFFF80  }
0x85: {  	_ =	sfence.sel $0x180000  }
0x86: {  	[bflag:$0x0] =	sbarrier.arrive $0xFFFF  }
0x87: {  	p0 =	sne.s32 s0, $0x0;
	_ =	strace $0x90000047  }
0x88: {  	s0 =	sadd.s32 @!p0 $0x100000, s1;
	[bflag:$0x2] =	sbarrier.arrive $0xFFFF  }
0x89: {  	[sflag:s0] =	ssyncadd.tile.s32 @!p0 $0x1;
	_ =	shalt  }
.Lfunc_end2:
_tile_overlayer_lowered:
.L_overlay_start_2:
0x8a: {  	(tag) =	ssettag $0x2  }
0x8b: {  	s0 =	rddreg [dreg:$0x0];
	s2 =	stileid.u32  }
0x8c: {  	s1 =	rddreg [dreg:$0x1];
	p0 =	sne.s32 s2, $0x0  }
0x8d: {  	s3 =	rddreg [dreg:$0x2];
	[bflag:$0x3] =	sbarrier.arrive $0xFFFF;
	s2 =	simm.s32 @!p0 $0x1C01  }
0x8e: {  	[timem:s3], [sflag:s2] =	dma.local @!p0 [hbm:s0], s1  }
0x8f: {  	s0 =	simm.s32 @!p0 $0x1  }
0x90: {  	_ =	swait.ge @!p0 [sflag:s0], s1  }
0x91: {  	s1 =	ssub.s32 @!p0 $0x0, s1;
	[sflag:s0] =	ssyncset.done @!p0 $0x0  }
0x92: {  	[sflag:s0] =	ssyncadd.s32 @!p0 s1  }
0x93: {  	[bflag:$0x3] =	sbarrier.arrive $0xFFFF  }
0x94: {  	_ =	shalt  }

</sc_bundles>
